<compile_context>
chip_gen: v7x
topology: tpu7x:2x2x1
jax: 0.10.2.dev20260603
libtpu: 0.0.44.dev20260713+nightly
codegen_flags: <defaults>
</compile_context>

<pallas_src>
import functools

import jax
import jax.numpy as jnp
from jax import lax
from jax.experimental import pallas as pl
from jax.experimental.pallas import tpu as pltpu
from jax.experimental.pallas import tpu_sc as plsc

N = 10000
E = 320000
D = 128
DH = D // 2
BN_EPS = 1e-5

NC = 2
NS = 16
EPT = E // NS
CHUNK = 80
NCHUNK = (EPT + CHUNK - 1) // CHUNK
EPTP = NCHUNK * CHUNK
TRASH = N
NPAD = 10240
RPT = NPAD // NS
XPT = N // NS
PDEPTH = 5
NBUF = 9


def _sc_agg_kernel(xab_hbm, src_hbm, dst_hbm, out_hbm,
                   sidx, didx, rows, agg_sh, gsem, ssem):
    c = lax.axis_index("c")
    s = lax.axis_index("s")

    table = xab_hbm.at[c]
    seed = pltpu.make_async_copy(table.at[pl.ds(s * XPT, XPT)],
                                 agg_sh.at[pl.ds(s * XPT, XPT)], gsem.at[0])
    pf_s = pltpu.make_async_copy(src_hbm.at[s], sidx, gsem.at[1])
    pf_d = pltpu.make_async_copy(dst_hbm.at[s], didx, gsem.at[2])
    seed.start()
    pf_s.start()
    pf_d.start()
    seed.wait()
    pf_s.wait()
    pf_d.wait()
    plsc.subcore_barrier()

    def make_loop():
        def body(i, _):
            @pl.when(i < NCHUNK)
            def _():
                k = lax.rem(i, NBUF)

                @pl.when(i >= NBUF)
                def _():
                    pltpu.make_async_copy(
                        rows.at[k], agg_sh.at[didx.at[0]], ssem.at[k]
                    ).wait()

                pltpu.make_async_copy(
                    table.at[sidx.at[i]], rows.at[k], gsem.at[k]
                ).start()

            j = i - PDEPTH

            @pl.when(j >= 0)
            def _():
                kj = lax.rem(j, NBUF)
                pltpu.make_async_copy(
                    table.at[sidx.at[j]], rows.at[kj], gsem.at[kj]
                ).wait()
                pltpu.make_async_copy(
                    rows.at[kj], agg_sh.at[didx.at[j]], ssem.at[kj]
                ).start(add=True)

            return 0

        lax.fori_loop(0, NCHUNK + PDEPTH, body, 0)

        def drain(k, _):
            pltpu.make_async_copy(
                rows.at[k], agg_sh.at[didx.at[0]], ssem.at[k]
            ).wait()
            return 0

        lax.fori_loop(0, NBUF, drain, 0)

    make_loop()

    plsc.subcore_barrier()
    pl.delay(8000)
    plsc.subcore_barrier()

    pltpu.sync_copy(agg_sh.at[pl.ds(s * RPT, RPT)],
                    out_hbm.at[pl.ds(s * RPT, RPT), pl.ds(c * DH, DH)])


_sc_agg = functools.partial(
    pl.kernel,
    out_type=jax.ShapeDtypeStruct((NPAD, D), jnp.float32),
    mesh=plsc.VectorSubcoreMesh(core_axis_name="c", subcore_axis_name="s"),
    compiler_params=pltpu.CompilerParams(use_tc_tiling_on_sc=False),
    scratch_types=[
        pltpu.VMEM((NCHUNK, CHUNK), jnp.int32),
        pltpu.VMEM((NCHUNK, CHUNK), jnp.int32),
        pltpu.VMEM((NBUF, CHUNK, DH), jnp.float32),
        pltpu.VMEM_SHARED((NPAD, DH), jnp.float32),
        pltpu.SemaphoreType.DMA((NBUF,)),
        pltpu.SemaphoreType.DMA((NBUF,)),
    ],
)(_sc_agg_kernel)


def _mlp_kernel(h0_ref, w1t_ref, b1_ref, g1_ref, be1_ref,
                w2t_ref, b2_ref, g2_ref, be2_ref, g3_ref, be3_ref, out_ref):
    def bn(h, gamma, beta):
        mean = jnp.mean(h, axis=0, keepdims=True)
        var = jnp.mean((h - mean) ** 2, axis=0, keepdims=True)
        return (h - mean) * lax.rsqrt(var + BN_EPS) * gamma + beta

    h = jnp.dot(h0_ref[pl.ds(0, N), :], w1t_ref[...],
                preferred_element_type=jnp.float32) + b1_ref[...]
    h = jnp.maximum(bn(h, g1_ref[...], be1_ref[...]), 0.0)
    h = jnp.dot(h, w2t_ref[...],
                preferred_element_type=jnp.float32) + b2_ref[...]
    h = jnp.maximum(bn(h, g2_ref[...], be2_ref[...]), 0.0)
    out_ref[...] = bn(h, g3_ref[...], be3_ref[...])


def _pad_idx(a, fill):
    pad = jnp.full((NS, EPTP - EPT), fill, jnp.int32)
    return jnp.concatenate([a.reshape(NS, EPT), pad], axis=1) \
        .reshape(NS, NCHUNK, CHUNK)


def kernel(x, edge_index, W1, b1, g1, be1, W2, b2, g2, be2, g3, be3):
    src = _pad_idx(edge_index[0], 0)
    dst = _pad_idx(edge_index[1], TRASH)
    xab = jnp.moveaxis(x.reshape(N, NC, DH), 1, 0)
    h0 = _sc_agg(xab, src, dst)
    row = lambda v: v.reshape(1, -1)
    return pl.pallas_call(
        _mlp_kernel,
        out_shape=jax.ShapeDtypeStruct((N, D), jnp.float32),
    )(h0, W1.T, row(b1), row(g1), row(be1),
      W2.T, row(b2), row(g2), row(be2), row(g3), row(be3))

# --- scband reference (transcript-rebuilt; emitter-appended) ---
"""Pipeline reference for scband-ginlayer-23673859736036 (READ-ONLY COPY).

The authoritative reference and input builder live on the scoring server;
editing this copy changes nothing except your own understanding.
"""

import jax, jax.numpy as jnp
import numpy as np

N = 10000
E = 320000
D = 128
H = 128
EPS_GIN = 0.0
BN_EPS = 1e-5


def _bn(h, gamma, beta):
    mean = jnp.mean(h, axis=0)
    var = jnp.var(h, axis=0)
    return (h - mean) / jnp.sqrt(var + BN_EPS) * gamma + beta


def setup_inputs(seed: int = 0) -> dict:
    key = jax.random.key(seed)
    ks = jax.random.split(key, 12)
    x = jax.random.normal(ks[0], (N, D), dtype=jnp.float32)
    edge_index = jax.random.randint(ks[1], (2, E), 0, N, dtype=jnp.int32)
    s1 = 1.0 / np.sqrt(D)
    s2 = 1.0 / np.sqrt(H)
    W1 = jax.random.uniform(ks[2], (H, D), jnp.float32, -s1, s1)
    b1 = jax.random.uniform(ks[3], (H,), jnp.float32, -s1, s1)
    g1 = jnp.ones((H,), jnp.float32)
    be1 = jnp.zeros((H,), jnp.float32)
    W2 = jax.random.uniform(ks[4], (H, H), jnp.float32, -s2, s2)
    b2 = jax.random.uniform(ks[5], (H,), jnp.float32, -s2, s2)
    g2 = jnp.ones((H,), jnp.float32)
    be2 = jnp.zeros((H,), jnp.float32)
    g3 = jnp.ones((H,), jnp.float32)
    be3 = jnp.zeros((H,), jnp.float32)
    return {"x": x, "edge_index": edge_index, "W1": W1, "b1": b1, "g1": g1, "be1": be1,
            "W2": W2, "b2": b2, "g2": g2, "be2": be2, "g3": g3, "be3": be3}


def reference(x, edge_index, W1, b1, g1, be1, W2, b2, g2, be2, g3, be3):
    src = edge_index[0]
    dst = edge_index[1]
    # GINConv message passing: sum-aggregate neighbor features into dst nodes
    agg = jax.ops.segment_sum(jnp.take(x, src, axis=0), dst, num_segments=N)
    h = (1.0 + EPS_GIN) * x + agg
    # MLP: Linear -> BN -> ReLU -> Linear -> BN -> ReLU
    h = h @ W1.T + b1
    h = _bn(h, g1, be1)
    h = jax.nn.relu(h)
    h = h @ W2.T + b2
    h = _bn(h, g2, be2)
    h = jax.nn.relu(h)
    # outer BatchNorm
    h = _bn(h, g3, be3)
    return h

if __name__ == "__main__":
    import jax
    _d = setup_inputs()
    print(jax.jit(kernel)(*tuple(_d.values())))

</pallas_src>

<mosaic_0001>
#map = affine_map<(d0, d1) -> (0, 0, 0)>
#map1 = affine_map<(d0, d1) -> (0, 0)>
module attributes {stable_mosaic.version = 14 : i64} {
  func.func @_sc_agg_kernel(%arg0: i32, %arg1: i32, %arg2: memref<2x10000x64xf32, #tpu.memory_space<hbm>>, %arg3: memref<16x250x80xi32, #tpu.memory_space<hbm>>, %arg4: memref<16x250x80xi32, #tpu.memory_space<hbm>>, %arg5: memref<10240x128xf32, #tpu.memory_space<hbm>>, %arg6: memref<250x80xi32, #tpu.memory_space<vmem>>, %arg7: memref<250x80xi32, #tpu.memory_space<vmem>>, %arg8: memref<9x80x64xf32, #tpu.memory_space<vmem>>, %arg9: memref<10240x64xf32, #tpu.memory_space<vmem_shared>>, %arg10: memref<9x!tpu.dma_semaphore, #tpu.memory_space<semaphore_mem>>, %arg11: memref<9x!tpu.dma_semaphore, #tpu.memory_space<semaphore_mem>>) attributes {dimension_semantics = [#tpu.dimension_semantics<core_parallel>, #tpu.dimension_semantics<subcore_parallel>], iteration_bounds = array<i64: 2, 16>, scalar_prefetch = 0 : i64, scratch_operands = 6 : i64, tpu.core_type = #tpu.core_type<sc_vector_subcore>, window_params = [{transform_indices = #map}, {transform_indices = #map}, {transform_indices = #map}, {transform_indices = #map1}]} {
    %mul3A = arith.constant 625 : i32
    %mul3A_0 = arith.muli %arg1, %mul3A : i32
    %mul3A_1 = arith.constant 625 : i32
    %mul3A_2 = arith.muli %arg1, %mul3A_1 : i32
    %dma_start3A = arith.constant 0 : i32
    %dma_start3A_3 = tpu.memref_slice %arg10[%dma_start3A] : memref<9x!tpu.dma_semaphore, #tpu.memory_space<semaphore_mem>> -> memref<1x!tpu.dma_semaphore, #tpu.memory_space<semaphore_mem>>
    %dma_start3A_4 = tpu.memref_squeeze %dma_start3A_3 : memref<1x!tpu.dma_semaphore, #tpu.memory_space<semaphore_mem>> -> memref<!tpu.dma_semaphore, #tpu.memory_space<semaphore_mem>>
    %dma_start3A_5 = arith.constant 0 : i32
    %dma_start3A_6 = tpu.memref_slice %arg9[%mul3A_2, %dma_start3A_5] : memref<10240x64xf32, #tpu.memory_space<vmem_shared>> -> memref<625x64xf32, #tpu.memory_space<vmem_shared>>
    %dma_start3A_7 = arith.constant 0 : i32
    %dma_start3A_8 = arith.constant 0 : i32
    %dma_start3A_9 = tpu.memref_slice %arg2[%arg0, %dma_start3A_7, %dma_start3A_8] : memref<2x10000x64xf32, #tpu.memory_space<hbm>> -> memref<1x10000x64xf32, #tpu.memory_space<hbm>>
    %dma_start3A_10 = tpu.memref_squeeze %dma_start3A_9 : memref<1x10000x64xf32, #tpu.memory_space<hbm>> -> memref<10000x64xf32, #tpu.memory_space<hbm>>
    %dma_start3A_11 = arith.constant 0 : i32
    %dma_start3A_12 = tpu.memref_slice %dma_start3A_10[%mul3A_0, %dma_start3A_11] : memref<10000x64xf32, #tpu.memory_space<hbm>> -> memref<625x64xf32, #tpu.memory_space<hbm>>
    tpu.enqueue_dma source(%dma_start3A_12 : memref<625x64xf32, #tpu.memory_space<hbm>>) target(%dma_start3A_6 : memref<625x64xf32, #tpu.memory_space<vmem_shared>>) target_semaphore(%dma_start3A_4 : memref<!tpu.dma_semaphore, #tpu.memory_space<semaphore_mem>>)
    %dma_start3A_13 = arith.constant 1 : i32
    %dma_start3A_14 = arith.constant 0 : i32
    %dma_start3A_15 = arith.constant 0 : i32
    %dma_start3A_16 = tpu.memref_slice %arg3[%arg1, %dma_start3A_14, %dma_start3A_15] : memref<16x250x80xi32, #tpu.memory_space<hbm>> -> memref<1x250x80xi32, #tpu.memory_space<hbm>>
    %dma_start3A_17 = tpu.memref_squeeze %dma_start3A_16 : memref<1x250x80xi32, #tpu.memory_space<hbm>> -> memref<250x80xi32, #tpu.memory_space<hbm>>
    %dma_start3A_18 = tpu.memref_slice %arg10[%dma_start3A_13] : memref<9x!tpu.dma_semaphore, #tpu.memory_space<semaphore_mem>> -> memref<1x!tpu.dma_semaphore, #tpu.memory_space<semaphore_mem>>
    %dma_start3A_19 = tpu.memref_squeeze %dma_start3A_18 : memref<1x!tpu.dma_semaphore, #tpu.memory_space<semaphore_mem>> -> memref<!tpu.dma_semaphore, #tpu.memory_space<semaphore_mem>>
    %dma_start3A_20 = arith.constant 0 : i32
    %dma_start3A_21 = arith.constant 0 : i32
    %dma_start3A_22 = tpu.memref_slice %arg3[%arg1, %dma_start3A_20, %dma_start3A_21] : memref<16x250x80xi32, #tpu.memory_space<hbm>> -> memref<1x250x80xi32, #tpu.memory_space<hbm>>
    %dma_start3A_23 = tpu.memref_squeeze %dma_start3A_22 : memref<1x250x80xi32, #tpu.memory_space<hbm>> -> memref<250x80xi32, #tpu.memory_space<hbm>>
    tpu.enqueue_dma source(%dma_start3A_23 : memref<250x80xi32, #tpu.memory_space<hbm>>) target(%arg6 : memref<250x80xi32, #tpu.memory_space<vmem>>) target_semaphore(%dma_start3A_19 : memref<!tpu.dma_semaphore, #tpu.memory_space<semaphore_mem>>)
    %dma_start3A_24 = arith.constant 2 : i32
    %dma_start3A_25 = arith.constant 0 : i32
    %dma_start3A_26 = arith.constant 0 : i32
    %dma_start3A_27 = tpu.memref_slice %arg4[%arg1, %dma_start3A_25, %dma_start3A_26] : memref<16x250x80xi32, #tpu.memory_space<hbm>> -> memref<1x250x80xi32, #tpu.memory_space<hbm>>
    %dma_start3A_28 = tpu.memref_squeeze %dma_start3A_27 : memref<1x250x80xi32, #tpu.memory_space<hbm>> -> memref<250x80xi32, #tpu.memory_space<hbm>>
    %dma_start3A_29 = tpu.memref_slice %arg10[%dma_start3A_24] : memref<9x!tpu.dma_semaphore, #tpu.memory_space<semaphore_mem>> -> memref<1x!tpu.dma_semaphore, #tpu.memory_space<semaphore_mem>>
    %dma_start3A_30 = tpu.memref_squeeze %dma_start3A_29 : memref<1x!tpu.dma_semaphore, #tpu.memory_space<semaphore_mem>> -> memref<!tpu.dma_semaphore, #tpu.memory_space<semaphore_mem>>
    %dma_start3A_31 = arith.constant 0 : i32
    %dma_start3A_32 = arith.constant 0 : i32
    %dma_start3A_33 = tpu.memref_slice %arg4[%arg1, %dma_start3A_31, %dma_start3A_32] : memref<16x250x80xi32, #tpu.memory_space<hbm>> -> memref<1x250x80xi32, #tpu.memory_space<hbm>>
    %dma_start3A_34 = tpu.memref_squeeze %dma_start3A_33 : memref<1x250x80xi32, #tpu.memory_space<hbm>> -> memref<250x80xi32, #tpu.memory_space<hbm>>
    tpu.enqueue_dma source(%dma_start3A_34 : memref<250x80xi32, #tpu.memory_space<hbm>>) target(%arg7 : memref<250x80xi32, #tpu.memory_space<vmem>>) target_semaphore(%dma_start3A_30 : memref<!tpu.dma_semaphore, #tpu.memory_space<semaphore_mem>>)
    %dma_wait3A = arith.constant 0 : i32
    %dma_wait3A_35 = tpu.memref_slice %arg10[%dma_wait3A] : memref<9x!tpu.dma_semaphore, #tpu.memory_space<semaphore_mem>> -> memref<1x!tpu.dma_semaphore, #tpu.memory_space<semaphore_mem>>
    %dma_wait3A_36 = tpu.memref_squeeze %dma_wait3A_35 : memref<1x!tpu.dma_semaphore, #tpu.memory_space<semaphore_mem>> -> memref<!tpu.dma_semaphore, #tpu.memory_space<semaphore_mem>>
    %dma_wait3A_37 = arith.constant 0 : i32
    %dma_wait3A_38 = tpu.memref_slice %arg9[%mul3A_2, %dma_wait3A_37] : memref<10240x64xf32, #tpu.memory_space<vmem_shared>> -> memref<625x64xf32, #tpu.memory_space<vmem_shared>>
    %dma_wait3A_39 = arith.constant 0 : i32
    %dma_wait3A_40 = arith.constant 0 : i32
    %dma_wait3A_41 = tpu.memref_slice %arg2[%arg0, %dma_wait3A_39, %dma_wait3A_40] : memref<2x10000x64xf32, #tpu.memory_space<hbm>> -> memref<1x10000x64xf32, #tpu.memory_space<hbm>>
    %dma_wait3A_42 = tpu.memref_squeeze %dma_wait3A_41 : memref<1x10000x64xf32, #tpu.memory_space<hbm>> -> memref<10000x64xf32, #tpu.memory_space<hbm>>
    %dma_wait3A_43 = arith.constant 0 : i32
    %dma_wait3A_44 = tpu.memref_slice %dma_wait3A_42[%mul3A_0, %dma_wait3A_43] : memref<10000x64xf32, #tpu.memory_space<hbm>> -> memref<625x64xf32, #tpu.memory_space<hbm>>
    tpu.wait_dma2 semaphore(%dma_wait3A_36 : memref<!tpu.dma_semaphore, #tpu.memory_space<semaphore_mem>>) src(%dma_wait3A_44 : memref<625x64xf32, #tpu.memory_space<hbm>>) dst(%dma_wait3A_38 : memref<625x64xf32, #tpu.memory_space<vmem_shared>>)
    %dma_wait3A_45 = arith.constant 1 : i32
    %dma_wait3A_46 = arith.constant 0 : i32
    %dma_wait3A_47 = arith.constant 0 : i32
    %dma_wait3A_48 = tpu.memref_slice %arg3[%arg1, %dma_wait3A_46, %dma_wait3A_47] : memref<16x250x80xi32, #tpu.memory_space<hbm>> -> memref<1x250x80xi32, #tpu.memory_space<hbm>>
    %dma_wait3A_49 = tpu.memref_squeeze %dma_wait3A_48 : memref<1x250x80xi32, #tpu.memory_space<hbm>> -> memref<250x80xi32, #tpu.memory_space<hbm>>
    %dma_wait3A_50 = tpu.memref_slice %arg10[%dma_wait3A_45] : memref<9x!tpu.dma_semaphore, #tpu.memory_space<semaphore_mem>> -> memref<1x!tpu.dma_semaphore, #tpu.memory_space<semaphore_mem>>
    %dma_wait3A_51 = tpu.memref_squeeze %dma_wait3A_50 : memref<1x!tpu.dma_semaphore, #tpu.memory_space<semaphore_mem>> -> memref<!tpu.dma_semaphore, #tpu.memory_space<semaphore_mem>>
    %dma_wait3A_52 = arith.constant 0 : i32
    %dma_wait3A_53 = arith.constant 0 : i32
    %dma_wait3A_54 = tpu.memref_slice %arg3[%arg1, %dma_wait3A_52, %dma_wait3A_53] : memref<16x250x80xi32, #tpu.memory_space<hbm>> -> memref<1x250x80xi32, #tpu.memory_space<hbm>>
    %dma_wait3A_55 = tpu.memref_squeeze %dma_wait3A_54 : memref<1x250x80xi32, #tpu.memory_space<hbm>> -> memref<250x80xi32, #tpu.memory_space<hbm>>
    tpu.wait_dma2 semaphore(%dma_wait3A_51 : memref<!tpu.dma_semaphore, #tpu.memory_space<semaphore_mem>>) src(%dma_wait3A_55 : memref<250x80xi32, #tpu.memory_space<hbm>>) dst(%arg6 : memref<250x80xi32, #tpu.memory_space<vmem>>)
    %dma_wait3A_56 = arith.constant 2 : i32
    %dma_wait3A_57 = arith.constant 0 : i32
    %dma_wait3A_58 = arith.constant 0 : i32
    %dma_wait3A_59 = tpu.memref_slice %arg4[%arg1, %dma_wait3A_57, %dma_wait3A_58] : memref<16x250x80xi32, #tpu.memory_space<hbm>> -> memref<1x250x80xi32, #tpu.memory_space<hbm>>
    %dma_wait3A_60 = tpu.memref_squeeze %dma_wait3A_59 : memref<1x250x80xi32, #tpu.memory_space<hbm>> -> memref<250x80xi32, #tpu.memory_space<hbm>>
    %dma_wait3A_61 = tpu.memref_slice %arg10[%dma_wait3A_56] : memref<9x!tpu.dma_semaphore, #tpu.memory_space<semaphore_mem>> -> memref<1x!tpu.dma_semaphore, #tpu.memory_space<semaphore_mem>>
    %dma_wait3A_62 = tpu.memref_squeeze %dma_wait3A_61 : memref<1x!tpu.dma_semaphore, #tpu.memory_space<semaphore_mem>> -> memref<!tpu.dma_semaphore, #tpu.memory_space<semaphore_mem>>
    %dma_wait3A_63 = arith.constant 0 : i32
    %dma_wait3A_64 = arith.constant 0 : i32
    %dma_wait3A_65 = tpu.memref_slice %arg4[%arg1, %dma_wait3A_63, %dma_wait3A_64] : memref<16x250x80xi32, #tpu.memory_space<hbm>> -> memref<1x250x80xi32, #tpu.memory_space<hbm>>
    %dma_wait3A_66 = tpu.memref_squeeze %dma_wait3A_65 : memref<1x250x80xi32, #tpu.memory_space<hbm>> -> memref<250x80xi32, #tpu.memory_space<hbm>>
    tpu.wait_dma2 semaphore(%dma_wait3A_62 : memref<!tpu.dma_semaphore, #tpu.memory_space<semaphore_mem>>) src(%dma_wait3A_66 : memref<250x80xi32, #tpu.memory_space<hbm>>) dst(%arg7 : memref<250x80xi32, #tpu.memory_space<vmem>>)
    %barrier3A = arith.constant 0 : index
    tpu.barrier barrier_id(%barrier3A)
    %scan3A = arith.constant 0 : i32
    %scan3A_67 = arith.constant 0 : i32
    %scan3A_68 = arith.constant 255 : i32
    %scan3A_69 = arith.addi %scan3A_67, %scan3A_68 : i32
    %scan3A_70 = arith.constant 1 : i32
    %scan3A_71 = scf.for %scan3A_88 = %scan3A_67 to %scan3A_69 step %scan3A_70 iter_args(%scan3A_89 = %scan3A) -> (i32)  : i32 {
      %lt3A = arith.constant 250 : i32
      %lt3A_90 = arith.cmpi slt, %scan3A_88, %lt3A : i32
      %convert_element_type3A = arith.extui %lt3A_90 : i1 to i32
      %cond3A = arith.constant 0 : i32
      %cond3A_91 = arith.cmpi ne, %convert_element_type3A, %cond3A : i32
      scf.if %cond3A_91 {
        %rem3A = arith.constant 9 : i32
        %rem3A_98 = arith.remsi %scan3A_88, %rem3A : i32
        %ge3A_99 = arith.constant 9 : i32
        %ge3A_100 = arith.cmpi sge, %scan3A_88, %ge3A_99 : i32
        %convert_element_type3A_101 = arith.extui %ge3A_100 : i1 to i32
        %cond3A_102 = arith.constant 0 : i32
        %cond3A_103 = arith.cmpi ne, %convert_element_type3A_101, %cond3A_102 : i32
        scf.if %cond3A_103 {
          %dma_wait3A_120 = arith.constant 0 : i32
          %dma_wait3A_121 = arith.constant 0 : i32
          %dma_wait3A_122 = arith.constant 0 : i32
          %dma_wait3A_123 = tpu.memref_slice %arg8[%rem3A_98, %dma_wait3A_121, %dma_wait3A_122] : memref<9x80x64xf32, #tpu.memory_space<vmem>> -> memref<1x80x64xf32, #tpu.memory_space<vmem>>
          %dma_wait3A_124 = tpu.memref_squeeze %dma_wait3A_123 : memref<1x80x64xf32, #tpu.memory_space<vmem>> -> memref<80x64xf32, #tpu.memory_space<vmem>>
          %dma_wait3A_125 = arith.constant 0 : i32
          %dma_wait3A_126 = tpu.memref_slice %arg7[%dma_wait3A_120, %dma_wait3A_125] : memref<250x80xi32, #tpu.memory_space<vmem>> -> memref<1x80xi32, #tpu.memory_space<vmem>>
          %dma_wait3A_127 = tpu.memref_squeeze %dma_wait3A_126 : memref<1x80xi32, #tpu.memory_space<vmem>> -> memref<80xi32, #tpu.memory_space<vmem>>
          %dma_wait3A_128 = arith.constant 0 : i32
          %dma_wait3A_129 = arith.constant 0 : i32
          %dma_wait3A_130 = tpu.memref_slice %arg9[%dma_wait3A_128, %dma_wait3A_129] : memref<10240x64xf32, #tpu.memory_space<vmem_shared>> -> memref<10240x64xf32, #tpu.memory_space<vmem_shared>>
          %dma_wait3A_131 = tpu.memref_slice %arg11[%rem3A_98] : memref<9x!tpu.dma_semaphore, #tpu.memory_space<semaphore_mem>> -> memref<1x!tpu.dma_semaphore, #tpu.memory_space<semaphore_mem>>
          %dma_wait3A_132 = tpu.memref_squeeze %dma_wait3A_131 : memref<1x!tpu.dma_semaphore, #tpu.memory_space<semaphore_mem>> -> memref<!tpu.dma_semaphore, #tpu.memory_space<semaphore_mem>>
          tpu.wait_indirect_dma semaphore(%dma_wait3A_132 : memref<!tpu.dma_semaphore, #tpu.memory_space<semaphore_mem>>) src(%dma_wait3A_124 : memref<80x64xf32, #tpu.memory_space<vmem>>) dst(%dma_wait3A_130 : memref<10240x64xf32, #tpu.memory_space<vmem_shared>>)
        } else {
        }
        %dma_start3A_104 = arith.constant 0 : i32
        %dma_start3A_105 = arith.constant 0 : i32
        %dma_start3A_106 = tpu.memref_slice %arg8[%rem3A_98, %dma_start3A_104, %dma_start3A_105] : memref<9x80x64xf32, #tpu.memory_space<vmem>> -> memref<1x80x64xf32, #tpu.memory_space<vmem>>
        %dma_start3A_107 = tpu.memref_squeeze %dma_start3A_106 : memref<1x80x64xf32, #tpu.memory_space<vmem>> -> memref<80x64xf32, #tpu.memory_space<vmem>>
        %dma_start3A_108 = arith.constant 0 : i32
        %dma_start3A_109 = tpu.memref_slice %arg6[%scan3A_88, %dma_start3A_108] : memref<250x80xi32, #tpu.memory_space<vmem>> -> memref<1x80xi32, #tpu.memory_space<vmem>>
        %dma_start3A_110 = tpu.memref_squeeze %dma_start3A_109 : memref<1x80xi32, #tpu.memory_space<vmem>> -> memref<80xi32, #tpu.memory_space<vmem>>
        %dma_start3A_111 = arith.constant 0 : i32
        %dma_start3A_112 = arith.constant 0 : i32
        %dma_start3A_113 = tpu.memref_slice %arg2[%arg0, %dma_start3A_111, %dma_start3A_112] : memref<2x10000x64xf32, #tpu.memory_space<hbm>> -> memref<1x10000x64xf32, #tpu.memory_space<hbm>>
        %dma_start3A_114 = tpu.memref_squeeze %dma_start3A_113 : memref<1x10000x64xf32, #tpu.memory_space<hbm>> -> memref<10000x64xf32, #tpu.memory_space<hbm>>
        %dma_start3A_115 = arith.constant 0 : i32
        %dma_start3A_116 = arith.constant 0 : i32
        %dma_start3A_117 = tpu.memref_slice %dma_start3A_114[%dma_start3A_115, %dma_start3A_116] : memref<10000x64xf32, #tpu.memory_space<hbm>> -> memref<10000x64xf32, #tpu.memory_space<hbm>>
        %dma_start3A_118 = tpu.memref_slice %arg10[%rem3A_98] : memref<9x!tpu.dma_semaphore, #tpu.memory_space<semaphore_mem>> -> memref<1x!tpu.dma_semaphore, #tpu.memory_space<semaphore_mem>>
        %dma_start3A_119 = tpu.memref_squeeze %dma_start3A_118 : memref<1x!tpu.dma_semaphore, #tpu.memory_space<semaphore_mem>> -> memref<!tpu.dma_semaphore, #tpu.memory_space<semaphore_mem>>
        tpu.enqueue_indirect_dma source(%dma_start3A_117 : memref<10000x64xf32, #tpu.memory_space<hbm>>) target(%dma_start3A_107 : memref<80x64xf32, #tpu.memory_space<vmem>>) offsets(%dma_start3A_110 : memref<80xi32, #tpu.memory_space<vmem>>) semaphore(%dma_start3A_119 : memref<!tpu.dma_semaphore, #tpu.memory_space<semaphore_mem>>)
      } else {
      }
      %sub3A = arith.constant 5 : i32
      %sub3A_92 = arith.subi %scan3A_88, %sub3A : i32
      %ge3A = arith.constant 0 : i32
      %ge3A_93 = arith.cmpi sge, %sub3A_92, %ge3A : i32
      %convert_element_type3A_94 = arith.extui %ge3A_93 : i1 to i32
      %cond3A_95 = arith.constant 0 : i32
      %cond3A_96 = arith.cmpi ne, %convert_element_type3A_94, %cond3A_95 : i32
      scf.if %cond3A_96 {
        %rem3A = arith.constant 9 : i32
        %rem3A_98 = arith.remsi %sub3A_92, %rem3A : i32
        %dma_wait3A_99 = arith.constant 0 : i32
        %dma_wait3A_100 = arith.constant 0 : i32
        %dma_wait3A_101 = tpu.memref_slice %arg8[%rem3A_98, %dma_wait3A_99, %dma_wait3A_100] : memref<9x80x64xf32, #tpu.memory_space<vmem>> -> memref<1x80x64xf32, #tpu.memory_space<vmem>>
        %dma_wait3A_102 = tpu.memref_squeeze %dma_wait3A_101 : memref<1x80x64xf32, #tpu.memory_space<vmem>> -> memref<80x64xf32, #tpu.memory_space<vmem>>
        %dma_wait3A_103 = arith.constant 0 : i32
        %dma_wait3A_104 = tpu.memref_slice %arg6[%sub3A_92, %dma_wait3A_103] : memref<250x80xi32, #tpu.memory_space<vmem>> -> memref<1x80xi32, #tpu.memory_space<vmem>>
        %dma_wait3A_105 = tpu.memref_squeeze %dma_wait3A_104 : memref<1x80xi32, #tpu.memory_space<vmem>> -> memref<80xi32, #tpu.memory_space<vmem>>
        %dma_wait3A_106 = arith.constant 0 : i32
        %dma_wait3A_107 = arith.constant 0 : i32
        %dma_wait3A_108 = tpu.memref_slice %arg2[%arg0, %dma_wait3A_106, %dma_wait3A_107] : memref<2x10000x64xf32, #tpu.memory_space<hbm>> -> memref<1x10000x64xf32, #tpu.memory_space<hbm>>
        %dma_wait3A_109 = tpu.memref_squeeze %dma_wait3A_108 : memref<1x10000x64xf32, #tpu.memory_space<hbm>> -> memref<10000x64xf32, #tpu.memory_space<hbm>>
        %dma_wait3A_110 = arith.constant 0 : i32
        %dma_wait3A_111 = arith.constant 0 : i32
        %dma_wait3A_112 = tpu.memref_slice %dma_wait3A_109[%dma_wait3A_110, %dma_wait3A_111] : memref<10000x64xf32, #tpu.memory_space<hbm>> -> memref<10000x64xf32, #tpu.memory_space<hbm>>
        %dma_wait3A_113 = tpu.memref_slice %arg10[%rem3A_98] : memref<9x!tpu.dma_semaphore, #tpu.memory_space<semaphore_mem>> -> memref<1x!tpu.dma_semaphore, #tpu.memory_space<semaphore_mem>>
        %dma_wait3A_114 = tpu.memref_squeeze %dma_wait3A_113 : memref<1x!tpu.dma_semaphore, #tpu.memory_space<semaphore_mem>> -> memref<!tpu.dma_semaphore, #tpu.memory_space<semaphore_mem>>
        tpu.wait_indirect_dma semaphore(%dma_wait3A_114 : memref<!tpu.dma_semaphore, #tpu.memory_space<semaphore_mem>>) src(%dma_wait3A_112 : memref<10000x64xf32, #tpu.memory_space<hbm>>) dst(%dma_wait3A_102 : memref<80x64xf32, #tpu.memory_space<vmem>>)
        %dma_start3A_115 = arith.constant 0 : i32
        %dma_start3A_116 = arith.constant 0 : i32
        %dma_start3A_117 = tpu.memref_slice %arg8[%rem3A_98, %dma_start3A_115, %dma_start3A_116] : memref<9x80x64xf32, #tpu.memory_space<vmem>> -> memref<1x80x64xf32, #tpu.memory_space<vmem>>
        %dma_start3A_118 = tpu.memref_squeeze %dma_start3A_117 : memref<1x80x64xf32, #tpu.memory_space<vmem>> -> memref<80x64xf32, #tpu.memory_space<vmem>>
        %dma_start3A_119 = arith.constant 0 : i32
        %dma_start3A_120 = tpu.memref_slice %arg7[%sub3A_92, %dma_start3A_119] : memref<250x80xi32, #tpu.memory_space<vmem>> -> memref<1x80xi32, #tpu.memory_space<vmem>>
        %dma_start3A_121 = tpu.memref_squeeze %dma_start3A_120 : memref<1x80xi32, #tpu.memory_space<vmem>> -> memref<80xi32, #tpu.memory_space<vmem>>
        %dma_start3A_122 = arith.constant 0 : i32
        %dma_start3A_123 = arith.constant 0 : i32
        %dma_start3A_124 = tpu.memref_slice %arg9[%dma_start3A_122, %dma_start3A_123] : memref<10240x64xf32, #tpu.memory_space<vmem_shared>> -> memref<10240x64xf32, #tpu.memory_space<vmem_shared>>
        %dma_start3A_125 = tpu.memref_slice %arg11[%rem3A_98] : memref<9x!tpu.dma_semaphore, #tpu.memory_space<semaphore_mem>> -> memref<1x!tpu.dma_semaphore, #tpu.memory_space<semaphore_mem>>
        %dma_start3A_126 = tpu.memref_squeeze %dma_start3A_125 : memref<1x!tpu.dma_semaphore, #tpu.memory_space<semaphore_mem>> -> memref<!tpu.dma_semaphore, #tpu.memory_space<semaphore_mem>>
        tpu.enqueue_indirect_dma source(%dma_start3A_118 : memref<80x64xf32, #tpu.memory_space<vmem>>) target(%dma_start3A_124 : memref<10240x64xf32, #tpu.memory_space<vmem_shared>>) offsets(%dma_start3A_121 : memref<80xi32, #tpu.memory_space<vmem>>) semaphore(%dma_start3A_126 : memref<!tpu.dma_semaphore, #tpu.memory_space<semaphore_mem>>) {add = true}
      } else {
      }
      %scan3A_97 = arith.constant 0 : i32
      scf.yield %scan3A_97 : i32
    }
    %scan3A_72 = arith.constant 255 : i32
    %scan3A_73 = arith.constant 0 : i32
    %scan3A_74 = arith.constant 0 : i32
    %scan3A_75 = arith.constant 9 : i32
    %scan3A_76 = arith.addi %scan3A_74, %scan3A_75 : i32
    %scan3A_77 = arith.constant 1 : i32
    %scan3A_78 = scf.for %scan3A_88 = %scan3A_74 to %scan3A_76 step %scan3A_77 iter_args(%scan3A_89 = %scan3A_73) -> (i32)  : i32 {
      %dma_wait3A_90 = arith.constant 0 : i32
      %dma_wait3A_91 = arith.constant 0 : i32
      %dma_wait3A_92 = arith.constant 0 : i32
      %dma_wait3A_93 = tpu.memref_slice %arg8[%scan3A_88, %dma_wait3A_91, %dma_wait3A_92] : memref<9x80x64xf32, #tpu.memory_space<vmem>> -> memref<1x80x64xf32, #tpu.memory_space<vmem>>
      %dma_wait3A_94 = tpu.memref_squeeze %dma_wait3A_93 : memref<1x80x64xf32, #tpu.memory_space<vmem>> -> memref<80x64xf32, #tpu.memory_space<vmem>>
      %dma_wait3A_95 = arith.constant 0 : i32
      %dma_wait3A_96 = tpu.memref_slice %arg7[%dma_wait3A_90, %dma_wait3A_95] : memref<250x80xi32, #tpu.memory_space<vmem>> -> memref<1x80xi32, #tpu.memory_space<vmem>>
      %dma_wait3A_97 = tpu.memref_squeeze %dma_wait3A_96 : memref<1x80xi32, #tpu.memory_space<vmem>> -> memref<80xi32, #tpu.memory_space<vmem>>
      %dma_wait3A_98 = arith.constant 0 : i32
      %dma_wait3A_99 = arith.constant 0 : i32
      %dma_wait3A_100 = tpu.memref_slice %arg9[%dma_wait3A_98, %dma_wait3A_99] : memref<10240x64xf32, #tpu.memory_space<vmem_shared>> -> memref<10240x64xf32, #tpu.memory_space<vmem_shared>>
      %dma_wait3A_101 = tpu.memref_slice %arg11[%scan3A_88] : memref<9x!tpu.dma_semaphore, #tpu.memory_space<semaphore_mem>> -> memref<1x!tpu.dma_semaphore, #tpu.memory_space<semaphore_mem>>
      %dma_wait3A_102 = tpu.memref_squeeze %dma_wait3A_101 : memref<1x!tpu.dma_semaphore, #tpu.memory_space<semaphore_mem>> -> memref<!tpu.dma_semaphore, #tpu.memory_space<semaphore_mem>>
      tpu.wait_indirect_dma semaphore(%dma_wait3A_102 : memref<!tpu.dma_semaphore, #tpu.memory_space<semaphore_mem>>) src(%dma_wait3A_94 : memref<80x64xf32, #tpu.memory_space<vmem>>) dst(%dma_wait3A_100 : memref<10240x64xf32, #tpu.memory_space<vmem_shared>>)
      %scan3A_103 = arith.constant 0 : i32
      scf.yield %scan3A_103 : i32
    }
    %scan3A_79 = arith.constant 9 : i32
    %barrier3A_80 = arith.constant 0 : index
    tpu.barrier barrier_id(%barrier3A_80)
    %delay3A = arith.constant 8000 : i32
    tpu.delay %delay3A
    %barrier3A_81 = arith.constant 0 : index
    tpu.barrier barrier_id(%barrier3A_81)
    %mul3A_82 = arith.constant 640 : i32
    %mul3A_83 = arith.muli %arg1, %mul3A_82 : i32
    %mul3A_84 = arith.constant 640 : i32
    %mul3A_85 = arith.muli %arg1, %mul3A_84 : i32
    %mul3A_86 = arith.constant 64 : i32
    %mul3A_87 = arith.muli %arg0, %mul3A_86 : i32
    "tpu.region"() ({
      %run_scoped3A = tpu.sem_alloc : memref<!tpu.dma_semaphore, #tpu.memory_space<semaphore_mem>>
      %dma_start3A_88 = tpu.memref_slice %arg5[%mul3A_85, %mul3A_87] : memref<10240x128xf32, #tpu.memory_space<hbm>> -> memref<640x64xf32, #tpu.memory_space<hbm>>
      %dma_start3A_89 = arith.constant 0 : i32
      %dma_start3A_90 = tpu.memref_slice %arg9[%mul3A_83, %dma_start3A_89] : memref<10240x64xf32, #tpu.memory_space<vmem_shared>> -> memref<640x64xf32, #tpu.memory_space<vmem_shared>>
      tpu.enqueue_dma source(%dma_start3A_90 : memref<640x64xf32, #tpu.memory_space<vmem_shared>>) target(%dma_start3A_88 : memref<640x64xf32, #tpu.memory_space<hbm>>) target_semaphore(%run_scoped3A : memref<!tpu.dma_semaphore, #tpu.memory_space<semaphore_mem>>)
      %dma_wait3A_91 = tpu.memref_slice %arg5[%mul3A_85, %mul3A_87] : memref<10240x128xf32, #tpu.memory_space<hbm>> -> memref<640x64xf32, #tpu.memory_space<hbm>>
      %dma_wait3A_92 = arith.constant 0 : i32
      %dma_wait3A_93 = tpu.memref_slice %arg9[%mul3A_83, %dma_wait3A_92] : memref<10240x64xf32, #tpu.memory_space<vmem_shared>> -> memref<640x64xf32, #tpu.memory_space<vmem_shared>>
      tpu.wait_dma2 semaphore(%run_scoped3A : memref<!tpu.dma_semaphore, #tpu.memory_space<semaphore_mem>>) src(%dma_wait3A_93 : memref<640x64xf32, #tpu.memory_space<vmem_shared>>) dst(%dma_wait3A_91 : memref<640x64xf32, #tpu.memory_space<hbm>>)
      tpu.yield
    }) : () -> ()
    return
  }
}

module attributes {stable_mosaic.version = 14 : i64} {
  func.func @_mlp_kernel(%arg0: memref<10240x128xf32, #tpu.memory_space<vmem>>, %arg1: memref<128x128xf32, #tpu.memory_space<vmem>>, %arg2: memref<1x128xf32, #tpu.memory_space<vmem>>, %arg3: memref<1x128xf32, #tpu.memory_space<vmem>>, %arg4: memref<1x128xf32, #tpu.memory_space<vmem>>, %arg5: memref<128x128xf32, #tpu.memory_space<vmem>>, %arg6: memref<1x128xf32, #tpu.memory_space<vmem>>, %arg7: memref<1x128xf32, #tpu.memory_space<vmem>>, %arg8: memref<1x128xf32, #tpu.memory_space<vmem>>, %arg9: memref<1x128xf32, #tpu.memory_space<vmem>>, %arg10: memref<1x128xf32, #tpu.memory_space<vmem>>, %arg11: memref<10000x128xf32, #tpu.memory_space<vmem>>) attributes {dimension_semantics = [], scalar_prefetch = 0 : i64, scratch_operands = 0 : i64, tpu.core_type = #tpu.core_type<tc>} {
    %get3A = arith.constant 0 : index
    %get3A_0 = arith.constant 0 : index
    %get3A_1 = vector.load %arg0[%get3A, %get3A_0] : memref<10240x128xf32, #tpu.memory_space<vmem>>, vector<10000x128xf32>
    %get3A_2 = arith.constant 0 : index
    %get3A_3 = arith.constant 0 : index
    %get3A_4 = vector.load %arg1[%get3A_2, %get3A_3] : memref<128x128xf32, #tpu.memory_space<vmem>>, vector<128x128xf32>
    %dot_general3A = arith.constant dense<0.000000e+00> : vector<10000x128xf32>
    %dot_general3A_5 = tpu.matmul %get3A_1, %get3A_4, %dot_general3A {dimension_numbers = #tpu.dot_dimension_numbers<[1], [0], [0], [1], [0, 0, 1, 1], [], []>, transpose_lhs_hint = false} : vector<10000x128xf32>, vector<128x128xf32>, vector<10000x128xf32> -> vector<10000x128xf32>
    %get3A_6 = arith.constant 0 : index
    %get3A_7 = arith.constant 0 : index
    %get3A_8 = vector.load %arg2[%get3A_6, %get3A_7] : memref<1x128xf32, #tpu.memory_space<vmem>>, vector<1x128xf32>
    %add3A = vector.broadcast %get3A_8 : vector<1x128xf32> to vector<10000x128xf32>
    %add3A_9 = arith.addf %dot_general3A_5, %add3A : vector<10000x128xf32>
    %get3A_10 = arith.constant 0 : index
    %get3A_11 = arith.constant 0 : index
    %get3A_12 = vector.load %arg3[%get3A_10, %get3A_11] : memref<1x128xf32, #tpu.memory_space<vmem>>, vector<1x128xf32>
    %get3A_13 = arith.constant 0 : index
    %get3A_14 = arith.constant 0 : index
    %get3A_15 = vector.load %arg4[%get3A_13, %get3A_14] : memref<1x128xf32, #tpu.memory_space<vmem>>, vector<1x128xf32>
    %reduce_sum3A = arith.constant dense<0.000000e+00> : vector<128xf32>
    %reduce_sum3A_16 = vector.multi_reduction <add>, %add3A_9, %reduce_sum3A [0] : vector<10000x128xf32> to vector<128xf32>
    %broadcast_in_dim3A = vector.shape_cast %reduce_sum3A_16 : vector<128xf32> to vector<1x128xf32>
    %div3A = arith.constant 1.000000e+04 : f32
    %div3A_17 = vector.broadcast %div3A : f32 to vector<1x128xf32>
    %div3A_18 = arith.divf %broadcast_in_dim3A, %div3A_17 : vector<1x128xf32>
    %sub3A = vector.broadcast %div3A_18 : vector<1x128xf32> to vector<10000x128xf32>
    %sub3A_19 = arith.subf %add3A_9, %sub3A : vector<10000x128xf32>
    %integer_pow3A = arith.mulf %sub3A_19, %sub3A_19 : vector<10000x128xf32>
    %reduce_sum3A_20 = arith.constant dense<0.000000e+00> : vector<128xf32>
    %reduce_sum3A_21 = vector.multi_reduction <add>, %integer_pow3A, %reduce_sum3A_20 [0] : vector<10000x128xf32> to vector<128xf32>
    %broadcast_in_dim3A_22 = vector.shape_cast %reduce_sum3A_21 : vector<128xf32> to vector<1x128xf32>
    %div3A_23 = arith.constant 1.000000e+04 : f32
    %div3A_24 = vector.broadcast %div3A_23 : f32 to vector<1x128xf32>
    %div3A_25 = arith.divf %broadcast_in_dim3A_22, %div3A_24 : vector<1x128xf32>
    %sub3A_26 = vector.broadcast %div3A_18 : vector<1x128xf32> to vector<10000x128xf32>
    %sub3A_27 = arith.subf %add3A_9, %sub3A_26 : vector<10000x128xf32>
    %add3A_28 = arith.constant 9.99999974E-6 : f32
    %add3A_29 = vector.broadcast %add3A_28 : f32 to vector<1x128xf32>
    %add3A_30 = arith.addf %div3A_25, %add3A_29 : vector<1x128xf32>
    %rsqrt3A = math.rsqrt %add3A_30 : vector<1x128xf32>
    %mul3A = vector.broadcast %rsqrt3A : vector<1x128xf32> to vector<10000x128xf32>
    %mul3A_31 = arith.mulf %sub3A_27, %mul3A : vector<10000x128xf32>
    %mul3A_32 = vector.broadcast %get3A_12 : vector<1x128xf32> to vector<10000x128xf32>
    %mul3A_33 = arith.mulf %mul3A_31, %mul3A_32 : vector<10000x128xf32>
    %add3A_34 = vector.broadcast %get3A_15 : vector<1x128xf32> to vector<10000x128xf32>
    %add3A_35 = arith.addf %mul3A_33, %add3A_34 : vector<10000x128xf32>
    %max3A = arith.constant 0.000000e+00 : f32
    %max3A_36 = vector.broadcast %max3A : f32 to vector<10000x128xf32>
    %max3A_37 = arith.maximumf %add3A_35, %max3A_36 : vector<10000x128xf32>
    %get3A_38 = arith.constant 0 : index
    %get3A_39 = arith.constant 0 : index
    %get3A_40 = vector.load %arg5[%get3A_38, %get3A_39] : memref<128x128xf32, #tpu.memory_space<vmem>>, vector<128x128xf32>
    %dot_general3A_41 = arith.constant dense<0.000000e+00> : vector<10000x128xf32>
    %dot_general3A_42 = tpu.matmul %max3A_37, %get3A_40, %dot_general3A_41 {dimension_numbers = #tpu.dot_dimension_numbers<[1], [0], [0], [1], [0, 0, 1, 1], [], []>, transpose_lhs_hint = false} : vector<10000x128xf32>, vector<128x128xf32>, vector<10000x128xf32> -> vector<10000x128xf32>
    %get3A_43 = arith.constant 0 : index
    %get3A_44 = arith.constant 0 : index
    %get3A_45 = vector.load %arg6[%get3A_43, %get3A_44] : memref<1x128xf32, #tpu.memory_space<vmem>>, vector<1x128xf32>
    %add3A_46 = vector.broadcast %get3A_45 : vector<1x128xf32> to vector<10000x128xf32>
    %add3A_47 = arith.addf %dot_general3A_42, %add3A_46 : vector<10000x128xf32>
    %get3A_48 = arith.constant 0 : index
    %get3A_49 = arith.constant 0 : index
    %get3A_50 = vector.load %arg7[%get3A_48, %get3A_49] : memref<1x128xf32, #tpu.memory_space<vmem>>, vector<1x128xf32>
    %get3A_51 = arith.constant 0 : index
    %get3A_52 = arith.constant 0 : index
    %get3A_53 = vector.load %arg8[%get3A_51, %get3A_52] : memref<1x128xf32, #tpu.memory_space<vmem>>, vector<1x128xf32>
    %reduce_sum3A_54 = arith.constant dense<0.000000e+00> : vector<128xf32>
    %reduce_sum3A_55 = vector.multi_reduction <add>, %add3A_47, %reduce_sum3A_54 [0] : vector<10000x128xf32> to vector<128xf32>
    %broadcast_in_dim3A_56 = vector.shape_cast %reduce_sum3A_55 : vector<128xf32> to vector<1x128xf32>
    %div3A_57 = arith.constant 1.000000e+04 : f32
    %div3A_58 = vector.broadcast %div3A_57 : f32 to vector<1x128xf32>
    %div3A_59 = arith.divf %broadcast_in_dim3A_56, %div3A_58 : vector<1x128xf32>
    %sub3A_60 = vector.broadcast %div3A_59 : vector<1x128xf32> to vector<10000x128xf32>
    %sub3A_61 = arith.subf %add3A_47, %sub3A_60 : vector<10000x128xf32>
    %integer_pow3A_62 = arith.mulf %sub3A_61, %sub3A_61 : vector<10000x128xf32>
    %reduce_sum3A_63 = arith.constant dense<0.000000e+00> : vector<128xf32>
    %reduce_sum3A_64 = vector.multi_reduction <add>, %integer_pow3A_62, %reduce_sum3A_63 [0] : vector<10000x128xf32> to vector<128xf32>
    %broadcast_in_dim3A_65 = vector.shape_cast %reduce_sum3A_64 : vector<128xf32> to vector<1x128xf32>
    %div3A_66 = arith.constant 1.000000e+04 : f32
    %div3A_67 = vector.broadcast %div3A_66 : f32 to vector<1x128xf32>
    %div3A_68 = arith.divf %broadcast_in_dim3A_65, %div3A_67 : vector<1x128xf32>
    %sub3A_69 = vector.broadcast %div3A_59 : vector<1x128xf32> to vector<10000x128xf32>
    %sub3A_70 = arith.subf %add3A_47, %sub3A_69 : vector<10000x128xf32>
    %add3A_71 = arith.constant 9.99999974E-6 : f32
    %add3A_72 = vector.broadcast %add3A_71 : f32 to vector<1x128xf32>
    %add3A_73 = arith.addf %div3A_68, %add3A_72 : vector<1x128xf32>
    %rsqrt3A_74 = math.rsqrt %add3A_73 : vector<1x128xf32>
    %mul3A_75 = vector.broadcast %rsqrt3A_74 : vector<1x128xf32> to vector<10000x128xf32>
    %mul3A_76 = arith.mulf %sub3A_70, %mul3A_75 : vector<10000x128xf32>
    %mul3A_77 = vector.broadcast %get3A_50 : vector<1x128xf32> to vector<10000x128xf32>
    %mul3A_78 = arith.mulf %mul3A_76, %mul3A_77 : vector<10000x128xf32>
    %add3A_79 = vector.broadcast %get3A_53 : vector<1x128xf32> to vector<10000x128xf32>
    %add3A_80 = arith.addf %mul3A_78, %add3A_79 : vector<10000x128xf32>
    %max3A_81 = arith.constant 0.000000e+00 : f32
    %max3A_82 = vector.broadcast %max3A_81 : f32 to vector<10000x128xf32>
    %max3A_83 = arith.maximumf %add3A_80, %max3A_82 : vector<10000x128xf32>
    %get3A_84 = arith.constant 0 : index
    %get3A_85 = arith.constant 0 : index
    %get3A_86 = vector.load %arg9[%get3A_84, %get3A_85] : memref<1x128xf32, #tpu.memory_space<vmem>>, vector<1x128xf32>
    %get3A_87 = arith.constant 0 : index
    %get3A_88 = arith.constant 0 : index
    %get3A_89 = vector.load %arg10[%get3A_87, %get3A_88] : memref<1x128xf32, #tpu.memory_space<vmem>>, vector<1x128xf32>
    %reduce_sum3A_90 = arith.constant dense<0.000000e+00> : vector<128xf32>
    %reduce_sum3A_91 = vector.multi_reduction <add>, %max3A_83, %reduce_sum3A_90 [0] : vector<10000x128xf32> to vector<128xf32>
    %broadcast_in_dim3A_92 = vector.shape_cast %reduce_sum3A_91 : vector<128xf32> to vector<1x128xf32>
    %div3A_93 = arith.constant 1.000000e+04 : f32
    %div3A_94 = vector.broadcast %div3A_93 : f32 to vector<1x128xf32>
    %div3A_95 = arith.divf %broadcast_in_dim3A_92, %div3A_94 : vector<1x128xf32>
    %sub3A_96 = vector.broadcast %div3A_95 : vector<1x128xf32> to vector<10000x128xf32>
    %sub3A_97 = arith.subf %max3A_83, %sub3A_96 : vector<10000x128xf32>
    %integer_pow3A_98 = arith.mulf %sub3A_97, %sub3A_97 : vector<10000x128xf32>
    %reduce_sum3A_99 = arith.constant dense<0.000000e+00> : vector<128xf32>
    %reduce_sum3A_100 = vector.multi_reduction <add>, %integer_pow3A_98, %reduce_sum3A_99 [0] : vector<10000x128xf32> to vector<128xf32>
    %broadcast_in_dim3A_101 = vector.shape_cast %reduce_sum3A_100 : vector<128xf32> to vector<1x128xf32>
    %div3A_102 = arith.constant 1.000000e+04 : f32
    %div3A_103 = vector.broadcast %div3A_102 : f32 to vector<1x128xf32>
    %div3A_104 = arith.divf %broadcast_in_dim3A_101, %div3A_103 : vector<1x128xf32>
    %sub3A_105 = vector.broadcast %div3A_95 : vector<1x128xf32> to vector<10000x128xf32>
    %sub3A_106 = arith.subf %max3A_83, %sub3A_105 : vector<10000x128xf32>
    %add3A_107 = arith.constant 9.99999974E-6 : f32
    %add3A_108 = vector.broadcast %add3A_107 : f32 to vector<1x128xf32>
    %add3A_109 = arith.addf %div3A_104, %add3A_108 : vector<1x128xf32>
    %rsqrt3A_110 = math.rsqrt %add3A_109 : vector<1x128xf32>
    %mul3A_111 = vector.broadcast %rsqrt3A_110 : vector<1x128xf32> to vector<10000x128xf32>
    %mul3A_112 = arith.mulf %sub3A_106, %mul3A_111 : vector<10000x128xf32>
    %mul3A_113 = vector.broadcast %get3A_86 : vector<1x128xf32> to vector<10000x128xf32>
    %mul3A_114 = arith.mulf %mul3A_112, %mul3A_113 : vector<10000x128xf32>
    %add3A_115 = vector.broadcast %get3A_89 : vector<1x128xf32> to vector<10000x128xf32>
    %add3A_116 = arith.addf %mul3A_114, %add3A_115 : vector<10000x128xf32>
    %swap3A = arith.constant 0 : index
    %swap3A_117 = arith.constant 0 : index
    %swap3A_118 = vector.load %arg11[%swap3A, %swap3A_117] : memref<10000x128xf32, #tpu.memory_space<vmem>>, vector<10000x128xf32>
    tpu.vector_store %arg11[%swap3A, %swap3A_117], %add3A_116 {strides = array<i32>} : memref<10000x128xf32, #tpu.memory_space<vmem>>, vector<10000x128xf32>,
    return
  }
}

</mosaic_0001>

<sc_bundles>
// kernel: kernel.4.cloned.1.call-start
scs
__scs_entry_jumppad:
0x0: {  	(pc) =	sbr.rel $0x88, $3  }
0x1: {  	(tag) =	ssettag $0x0;
	lr =	simm.s32 $0x1  }
0x2: {  	[smem:$0x3F95] =	sst lr;
	_ =	strace $0xD0000000  }
0x3: {  	_ = 	snop  }
0x4: {  	_ = 	snop  }
0x5: {  	_ = 	snop  }
0x6: {  	_ = 	snop  }
0x7: {  	_ = 	snop  }
__scs_overlays_trampoline_lowered:
0x8: {  	[smem:$0x3FA4] =	sst s0  }
0x9: {  	[smem:$0x3FA5] =	sst s1  }
0xa: {  	[smem:$0x3FA6] =	sst s2  }
0xb: {  	[smem:$0x3FA7] =	sst s3  }
0xc: {  	[smem:$0x3FA8] =	sst s4  }
0xd: {  	[smem:$0x3FA9] =	sst s5  }
0xe: {  	[smem:$0x3FAA] =	sst s6  }
0xf: {  	[smem:$0x3FAB] =	sst s7  }
0x10: {  	[smem:$0x3FAC] =	sst s8  }
0x11: {  	[smem:$0x3FAD] =	sst s9;
	s0 =	simm.s32 @!p0 $0x0  }
0x12: {  	s1 =	sld [smem:$0x3F93];
	s0 =	simm.s32 @p0 $0x1  }
0x13: {  	[smem:$0x3FAE] =	sst s0;
	s0 =	simm.s32 @!p1 $0x0  }
0x14: {  	s2 =	sld [smem:$0x3F92];
	s0 =	simm.s32 @p1 $0x1  }
0x15: {  	[smem:$0x3FAF] =	sst s0;
	s0 =	simm.s32 @!p2 $0x0  }
0x16: {  	s3 =	sld [smem:$0x3FDB];
	s0 =	simm.s32 @p2 $0x1  }
0x17: {  	s4 =	simm.s32 $0x1BF5;
	[smem:$0x3FB1] =	sst s0  }
0x18: {  	s0 =	sld [smem:$0x3F94];
	_ =	swait.ge [sflag:s4], $0x0  }
0x19: {  	s7 =	sld [smem:$0x3F95]  }
0x1a: {  	s8 =	sadd.s32 $0xFFFFE003, lr  }
0x1b: {  	s9 =	sadd.s32 $0xFFFFFEF7, lr;
	s5 =	simm.s32 $0xFFFFFFFF;
	p2 =	slt.u32 s8, $0xFFFFF086  }
0x1c: {  	p1 =	slt.u32 s9, $0xF7A;
	s5 =	simm.s32 @!p2 $0x0  }
0x1d: {  	s5 =	simm.s32 @p1 $0x1;
	p0 =	seq.s32 s7, s2  }
0x1e: {  	s7 =	smul.u32 @!p0 $0xF7A, s2;
	p2 =	seq.s32 @!p0 s5, $0x0  }
0x1f: {  	s9 =	smul.u32 $0xF7A, s1;
	s8 =	simm.s32 @!p0 $0x1BF5;
	p2 =	por !p2, p0  }
0x20: {  	[sflag:s8] =	ssyncset.s32 @!p0 $0xFFFFF086;
	s6 =	sadd.s32 @!p0 s3, s7;
	s7 =	simm.s32 @!p0 $0x108  }
0x21: {  	s3 =	sadd.s32 s3, s9;
	s6 =	sadd.s32 @!p0 $0x88, s6;
	s7 =	simm.s32 @p2 $0x1082  }
0x22: {  	[simem:s7], [sflag:s8] =	dma.local @!p0 [hbm:s6], $0xF7A  }
0x23: {  	s9 =	sor.u32 $0xD0000000, s2;
	s6 =	simm.s32 $0x108;
	_ =	swait.ge @!p0 [sflag:s8], $0x0  }
0x24: {  	s3 =	sadd.s32 $0x88, s3;
	s6 =	simm.s32 @!p1 $0x1082;
	[sflag:s4] =	ssyncset.s32 $0xFFFFF086  }
0x25: {  	[simem:s6], [sflag:s4] =	dma.local [hbm:s3], $0xF7A  }
0x26: {  	[smem:$0x3F95] =	sst s1;
	(tag) =	ssettag s2;
	_ =	strace s9  }
0x27: {  	s1 =	sld [smem:$0x3FA5]  }
0x28: {  	s2 =	sld [smem:$0x3FA6]  }
0x29: {  	s4 =	sld [smem:$0x3FA8]  }
0x2a: {  	p0 =	seq.s32 s5, $0x0;
	s5 =	sld [smem:$0x3FA9]  }
0x2b: {  	s6 =	sld [smem:$0x3FAA]  }
0x2c: {  	s7 =	sld [smem:$0x3FAB]  }
0x2d: {  	s3 =	simm.s32 $0x108;
	s8 =	sld [smem:$0x3FAC]  }
0x2e: {  	s3 =	simm.s32 @!p0 $0x1082;
	s9 =	sld [smem:$0x3FAD]  }
0x2f: {  	lr =	sadd.s32 s0, s3;
	s0 =	sld [smem:$0x3FA4]  }
0x30: {  	s3 =	sld [smem:$0x3FA7]  }
0x31: {  	[smem:$0x3FB0] =	sst s10  }
0x32: {  	s10 =	sld [smem:$0x3FAE];
	_ =	sdelay $0x3  }
0x33: {  	p0 =	seq.s32 s10, $0x1;
	s10 =	sld [smem:$0x3FB0];
	_ =	sdelay $0x3  }
0x34: {  	[smem:$0x3FB0] =	sst s10  }
0x35: {  	s10 =	sld [smem:$0x3FAF];
	_ =	sdelay $0x3  }
0x36: {  	p1 =	seq.s32 s10, $0x1;
	s10 =	sld [smem:$0x3FB0];
	_ =	sdelay $0x3  }
0x37: {  	[smem:$0x3FB0] =	sst s10  }
0x38: {  	s10 =	sld [smem:$0x3FB1]  }
0x39: {  	_ = 	snop;
	(pc) =	sbr.ind lr, $3  }
0x3a: {  	_ = 	snop  }
0x3b: {  	_ = 	snop  }
0x3c: {  	p2 =	seq.s32 s10, $0x1;
	s10 =	sld [smem:$0x3FB0]  }
0x3d: {  	_ =	shalt  }
0x3e: {  	_ =	shalt  }
0x3f: {  	_ =	shalt  }
0x40: {  	_ =	shalt  }
0x41: {  	_ =	shalt  }
0x42: {  	_ =	shalt  }
0x43: {  	_ =	shalt  }
0x44: {  	_ =	shalt  }
0x45: {  	_ =	shalt  }
0x46: {  	_ =	shalt  }
0x47: {  	_ =	shalt  }
0x48: {  	_ =	shalt  }
0x49: {  	_ =	shalt  }
0x4a: {  	_ =	shalt  }
0x4b: {  	_ =	shalt  }
0x4c: {  	_ =	shalt  }
0x4d: {  	_ =	shalt  }
0x4e: {  	_ =	shalt  }
0x4f: {  	_ =	shalt  }
0x50: {  	_ =	shalt  }
0x51: {  	_ =	shalt  }
0x52: {  	_ =	shalt  }
0x53: {  	_ =	shalt  }
0x54: {  	_ =	shalt  }
0x55: {  	_ =	shalt  }
0x56: {  	_ =	shalt  }
0x57: {  	_ =	shalt  }
0x58: {  	_ =	shalt  }
0x59: {  	_ =	shalt  }
0x5a: {  	_ =	shalt  }
0x5b: {  	_ =	shalt  }
0x5c: {  	_ =	shalt  }
0x5d: {  	_ =	shalt  }
0x5e: {  	_ =	shalt  }
0x5f: {  	_ =	shalt  }
0x60: {  	_ =	shalt  }
0x61: {  	_ =	shalt  }
0x62: {  	_ =	shalt  }
0x63: {  	_ =	shalt  }
0x64: {  	_ =	shalt  }
0x65: {  	_ =	shalt  }
0x66: {  	_ =	shalt  }
0x67: {  	_ =	shalt  }
0x68: {  	_ =	shalt  }
0x69: {  	_ =	shalt  }
0x6a: {  	_ =	shalt  }
0x6b: {  	_ =	shalt  }
0x6c: {  	_ =	shalt  }
0x6d: {  	_ =	shalt  }
0x6e: {  	_ =	shalt  }
0x6f: {  	_ =	shalt  }
0x70: {  	_ =	shalt  }
0x71: {  	_ =	shalt  }
0x72: {  	_ =	shalt  }
0x73: {  	_ =	shalt  }
0x74: {  	_ =	shalt  }
0x75: {  	_ =	shalt  }
0x76: {  	_ =	shalt  }
0x77: {  	_ =	shalt  }
0x78: {  	_ =	shalt  }
0x79: {  	_ =	shalt  }
0x7a: {  	_ =	shalt  }
0x7b: {  	_ =	shalt  }
0x7c: {  	_ =	shalt  }
0x7d: {  	_ =	shalt  }
0x7e: {  	_ =	shalt  }
0x7f: {  	_ =	shalt  }
0x80: {  	_ =	shalt  }
0x81: {  	_ =	shalt  }
0x82: {  	_ =	shalt  }
0x83: {  	_ =	shalt  }
0x84: {  	_ =	shalt  }
0x85: {  	_ =	shalt  }
0x86: {  	_ =	shalt  }
0x87: {  	_ =	shalt  }
.Lfunc_end0:
.L_simem_size_0:
called_computation_lowered:
.L_overlay_start_0:
0x88: {  	s2 =	sld [smem:$0x3FD9]  }
0x89: {  	s3 =	sld [smem:$0x3FFE];
	_ =	sdelay $0x1  }
0x8a: {  	s1 =	srdreg.scid  }
0x8b: {  	s0 =	sand.u32 $0x1, s1  }
0x8c: {  	s17 =	sshll.u32 s0, $0xA;
	s2 =	sadd.s32 s3, s2  }
0x8d: {  	s2 =	sadd.s32 s2, s17  }
0x8e: {  	[smem:$0x3FBC] =	sst s2  }
0x8f: {  	_ = 	snop  }
0x90: {  	s2 =	sld [smem:$0x3FD0];
	(tm) =	ssettm $0x1  }
0x91: {  	s18 =	sld [smem:$0x3FFB];
	_ =	sdelay $0x3  }
0x92: {  	_ =	strace s18  }
0x93: {  	s3 =	sld [smem:$0x3FFC];
	_ =	sdelay $0x3  }
0x94: {  	_ =	strace s3  }
0x95: {  	s3 =	sld [smem:$0x3FFD];
	_ =	sdelay $0x3  }
0x96: {  	_ =	strace s3  }
0x97: {  	_ =	strace $0x8FFFFFFF  }
0x98: {  	s19 =	sld [smem:$0x3FDB];
	_ =	sdelay $0x1  }
0x99: {  	s4 =	simm.s32 $_scs_section_size  }
0x9a: {  	s5 =	simm.s32 $_size__tile_overlayer_lowered;
	s6 =	simm.s32 $_tile_overlayer_lowered  }
0x9b: {  	s22 =	simm.s32 $0x1BFF;
	s21 =	sshll.u32 s6, $0x1;
	s3 =	sadd.s32 s4, s19  }
0x9c: {  	s7 =	simm.s32 $0x0;
	s20 =	sshll.u32 s5, $0x1;
	s5 =	sadd.s32 s21, s3  }
0x9d: {  	[timem:s7], [sflag:s22] =	dma.local [hbm:s5], s20  }
0x9e: {  	_ =	swait.ge [sflag:s22], s20  }
0x9f: {  	s4 =	ssub.s32 $0x0, s20;
	[sflag:s22] =	ssyncset.done $0x0  }
0xa0: {  	[sflag:s22] =	ssyncadd.s32 s4;
	_ =	sdelay $0x1  }
0xa1: {  	s23 =	simm.s32 $0x1B8B  }
0xa2: {  	_ =	swait.ge [sflag:s23], $0x1  }
0xa3: {  	[sflag:s23] =	ssyncset.done $0x0  }
0xa4: {  	s25 =	simm.s32 $0x1B8E;
	s24 =	sld [smem:$0x3FFE];
	[sflag:s23] =	ssyncadd.s32 $0xFFFFFFFF  }
0xa5: {  	s26 =	simm.s32 $execute0_lowered;
	[smem:$0x3FD2] =	sst s25  }
0xa6: {  	s5 =	sshll.u32 s26, $0x1;
	_ =	strace $0x80000046;
	[dreg:$0x1] =	wrdreg $0xFFFFFFFF  }
0xa7: {  	s28 =	simm.s32 $_size_execute0_lowered;
	s3 =	sadd.s32 s3, s5;
	[dreg:$0x0] =	wrdreg $0x0  }
0xa8: {  	s5 =	sshll.u32 s28, $0x1;
	[dreg:$0x2] =	wrdreg s3  }
0xa9: {  	[dreg:$0x3] =	wrdreg s5  }
0xaa: {  	[dreg:$0x4] =	wrdreg $0xC0  }
0xab: {  	_ =	task [dreg:s7], $0x5FFFF  }
0xac: {  	[dreg:$0x1] =	wrdreg $0xFFFFFFFF  }
0xad: {  	[dreg:$0x0] =	wrdreg $0x60  }
0xae: {  	[dreg:$0x2] =	wrdreg s2  }
0xaf: {  	[dreg:$0x3] =	wrdreg s24  }
0xb0: {  	[dreg:$0x4] =	wrdreg $0x150400  }
0xb1: {  	[dreg:$0x5] =	wrdreg $0x9  }
0xb2: {  	_ =	task.clear_ibuf [dreg:s7], $0x6FFFF;
	_ =	strace $0x90000046  }
0xb3: {  	s29 =	simm.s32 $0x9;
	_ =	strace $0x80000048  }
0xb4: {  	_ =	swait.ge [sflag:s29], $0x1  }
0xb5: {  	[sflag:s29] =	ssyncadd.s32 $0xFFFFFFFF  }
0xb6: {  	_ =	strace $0x90000048  }
0xb7: {  	_ =	sfence  }
0xb8: {  	s30 =	sld [smem:$0x0];
	_ =	sdelay $0x2  }
0xb9: {  	s31 =	sshll.u32 s1, $0xD;
	s1 =	sshrl.u32 s1, $0x2  }
0xba: {  	s3 =	sand.u32 $0x4000, s31;
	s1 =	sadd.s32 s1, s30  }
0xbb: {  	s0 =	sor.u32 s3, s0;
	s1 =	sshll.u32 s1, $0x11  }
0xbc: {  	s0 =	sor.u32 s1, s0  }
0xbd: {  	s0 =	sadd.s32 $0x8F2B, s0  }
0xbe: {  	[sflag:s0] =	ssyncadd.remote.s32 $0x1  }
0xbf: {  	_ =	sfence.sel $0xFFFF  }
0xc0: {  	[dreg:$0x0] =	wrdreg $0xFFFFFFFF;
	(pc) =	sbr.abs _section_cstart, $3  }
0xc1: {  	[dreg:$0x1] =	wrdreg $0xFFFFFFFF  }
0xc2: {  	_ =	task.clear_ibuf [dreg:s7], $0x2FFFF;
	_ =	strace $0x9FFFFFFF  }
0xc3: {  	(tm) =	ssettm $0x7FFFFFFF  }
tec
execute0_lowered:
.L_overlay_start_1:
0x0: {  	(tag) =	ssettag $0x1  }
0x1: {  	s0 =	rddreg [dreg:$0x0]  }
0x2: {  	s1 =	rddreg [dreg:$0x1]  }
0x3: {  	s2 =	rddreg [dreg:$0x2];
	s3 =	stileid.u32  }
0x4: {  	s4 =	srdreg.scid;
	s6 =	simm.s32 $0x0;
	s14 =	simm.s32 $0x1  }
0x5: {  	s15 =	simm.s32 $0x2;
	s16 =	simm.s32 $0x3;
	s17 =	simm.s32 $0x50  }
0x6: {  	s18 =	simm.s32 $0xA;
	s19 =	simm.s32 $0xB;
	s20 =	simm.s32 $0xC  }
0x7: {  	s21 =	simm.s32 $0xD;
	s22 =	simm.s32 $0xE;
	s5 =	smul.u32 $0x14000, s3  }
0x8: {  	s28 =	simm.s32 $0x12;
	s30 =	simm.s32 $0x13;
	s23 =	smul.u32 $0x9C4, s3  }
0x9: {  	s31 =	simm.s32 $0x0;
	s4 =	sand.u32 $0x1, s4;
	s24 =	smul.u32 $0x9C40, s3  }
0xa: {  	[smem:$0x7FF] =	sst s6;
	s13 =	smul.u32 $0x28000, s3;
	s7 =	sshll.u32 s4, $0x6  }
0xb: {  	_ =	strace $0x80000047;
	s8 =	ssub.s32 $0x2, s4;
	s4 =	smul.u32 $0x13880, s4  }
0xc: {  	s5 =	sor.u32 s7, s5;
	s9 =	sadd.s32 s23, s1;
	s25 =	sshrl.u32 s8, $0x1  }
0xd: {  	s12 =	sadd.s32 s24, s2;
	s26 =	sshrl.u32 s24, $0x3;
	s29 =	sshrl.u32 s13, $0x2  }
0xe: {  	s23 =	simm.s32 $0xF;
	s24 =	simm.s32 $0x10;
	s5 =	sshrl.u32 s5, $0x3  }
0xf: {  	s11 =	ssub.s32 s8, s25;
	s4 =	sadd.s32 s0, s4;
	s8 =	sadd.s32 $0xB200, s9  }
0x10: {  	s9 =	sadd.s32 $0x1400, s9;
	s12 =	sshrl.u32 s12, $0x3;
	s1 =	sadd.s32 s5, s1  }
0x11: {  	s5 =	sshll.u32 s3, $0x6;
	s0 =	sadd.s32 s26, s4;
	s11 =	smax.u32 s11, $0x1  }
0x12: {  	s26 =	simm.s32 $0x11;
	[dreg:$0x4] =	wrdreg s0;
	s0 =	sadd.s32 s29, s2  }
0x13: {  	s7 =	sor.u32 $0x1C01, s5;
	s10 =	sadd.s32 $0x15000, s1;
	s25 =	sshrl.u32 s0, $0x3  }
.LBB2_1:
0x14: {  	s0 =	rddreg [dreg:$0x4];
	s29 =	simm.s32 $0x0  }
0x15: {  	[spmem:s12], [sflag:s7] =	dma.local [hbm:s0], $0x1388  }
0x16: {  	[tilespmem:s29], [sflag:$0x2] =	stream.linear.gather [hbm4b:s8+s29], $0x4E20, $0x38;
	[tilespmem:$0x1F040] =	vst v63  }
0x17: {  	s1 =	simm.s32 $0x4E20  }
0x18: {  	[tilespmem:s1], [sflag:$0x3] =	stream.linear.gather [hbm4b:s9+s29], $0x4E20, $0x38;
	[tilespmem:$0x1F040] =	vst v63  }
0x19: {  	_ =	swait.ge [sflag:s14], $0x1388  }
0x1a: {  	[sflag:s14] =	ssyncset.done $0x0  }
0x1b: {  	[sflag:s14] =	ssyncadd.s32 $0xFFFFEC78  }
0x1c: {  	_ =	swait.ge [sflag:s15], $0x4E20  }
0x1d: {  	[sflag:s15] =	ssyncset.done $0x0  }
0x1e: {  	[sflag:s15] =	ssyncadd.s32 $0xFFFFB1E0  }
0x1f: {  	_ =	swait.ge [sflag:s16], $0x4E20  }
0x20: {  	[sflag:s16] =	ssyncset.done $0x0  }
0x21: {  	s13 =	simm.s32 $0x0;
	[sflag:s16] =	ssyncadd.s32 $0xFFFFB1E0  }
0x22: {  	s0 =	simm.s32 $0x4C90;
	s1 =	simm.s32 $0x0;
	[bflag:$0x0] =	sbarrier.arrive $0xFFFF  }
.LBB2_2:
0x23: {  	p0 =	sgt.u32 s13, $0xF9  }
0x24: {  	s29 =	smul.u32 @!p0 $0x39, s13;
	_ =	sdelay $0x1  }
0x25: {  	s29 =	sshrl.u32 @!p0 s29, $0x9  }
0x26: {  	s29 =	sand.u32 @!p0 $0x7F, s29  }
0x27: {  	s29 =	smul.u32 @!p0 $0x9, s29;
	_ =	sdelay $0x1  }
0x28: {  	p1 =	slt.u32 @!p0 s13, $0x9;
	s29 =	ssub.s32 @!p0 s13, s29  }
0x29: {  	p1 =	por p1, p0;
	s29 =	sand.u32 @!p0 $0xFF, s29  }
0x2a: {  	s3 =	sadd.s32 @!p1 $0xA, s29  }
0x2b: {  	s6 =	smul.u32 @!p0 $0x5000, s29;
	_ =	swait.ge @!p1 [sflag:s3], $0x1400  }
0x2c: {  	[sflag:s3] =	ssyncset.done @!p1 $0x0  }
0x2d: {  	[sflag:s3] =	ssyncadd.s32 @!p1 $0xFFFFEC00;
	s3 =	sshrl.u32 @!p0 s6, $0x2;
	s6 =	sadd.s32 @!p0 $0x1, s29  }
0x2e: {  	s29 =	simm.s32 @!p0 $0x50;
	p1 =	slt.u32 @!p0 s13, $0x5;
	s3 =	sadd.s32 @!p0 $0x9C40, s3  }
0x2f: {  	[tilespmem:s3], [sflag:s6] =	stream.indirect.gather @!p0 [hbm4b:s4+s29], $0x40, s1, s29, $0xb8;
	[tilespmem:$0x1F040] =	vst v63  }
0x30: {  	p0 =	por p0, !p1  }
0x31: {  	s3 =	sadd.s32 @p0 $0xFFFFFFFB, s13  }
0x32: {  	s6 =	sand.u32 @p0 $0xFF, s3  }
0x33: {  	s6 =	smul.u32 @p0 $0x39, s6;
	_ =	sdelay $0x1  }
0x34: {  	s6 =	sshrl.u32 @p0 s6, $0x9  }
0x35: {  	s6 =	smul.u32 @p0 $0x9, s6;
	_ =	sdelay $0x1  }
0x36: {  	s3 =	ssub.s32 @p0 s3, s6  }
0x37: {  	s3 =	sand.u32 @p0 $0xFF, s3  }
0x38: {  	s6 =	smul.u32 @p0 $0x5000, s3;
	s29 =	sadd.s32 @p0 $0x1, s3  }
0x39: {  	_ =	swait.ge @p0 [sflag:s29], $0x1400  }
0x3a: {  	s13 =	sadd.s32 $0x1, s13;
	s6 =	sshrl.u32 @p0 s6, $0x2;
	[sflag:s29] =	ssyncset.done @p0 $0x0  }
0x3b: {  	s3 =	sadd.s32 @p0 $0xA, s3;
	s6 =	sadd.s32 @p0 $0x9C40, s6;
	[sflag:s29] =	ssyncadd.s32 @p0 $0xFFFFEC00  }
0x3c: {  	[spmem:s2] =	stream.indirect.scatter.add.f32 @p0 [tilespmem:s6], [sflag:s3], $0x40, s0, s17, $0xb8;
	[tilespmem:$0x1F040] =	vst v63  }
0x3d: {  	p0 =	sne.s32 s13, $0xFF  }
.Ltmp0:
0x3e: {  	_ = 	snop;
	(pc) =	sbr.rel @p0 .LBB2_2-.Ltmp0, $2  }
0x3f: {  	_ =	sdelay $0x2  }
0x40: {  	s1 =	sadd.s32 $0x50, s1;
	s0 =	sadd.s32 $0x50, s0  }
0x41: {  	_ =	swait.ge [sflag:s18], $0x1400  }
0x42: {  	[sflag:s18] =	ssyncset.done $0x0  }
0x43: {  	[sflag:s18] =	ssyncadd.s32 $0xFFFFEC00  }
0x44: {  	_ =	swait.ge [sflag:s19], $0x1400  }
0x45: {  	[sflag:s19] =	ssyncset.done $0x0  }
0x46: {  	[sflag:s19] =	ssyncadd.s32 $0xFFFFEC00  }
0x47: {  	_ =	swait.ge [sflag:s20], $0x1400  }
0x48: {  	[sflag:s20] =	ssyncset.done $0x0  }
0x49: {  	[sflag:s20] =	ssyncadd.s32 $0xFFFFEC00  }
0x4a: {  	_ =	swait.ge [sflag:s21], $0x1400  }
0x4b: {  	[sflag:s21] =	ssyncset.done $0x0  }
0x4c: {  	[sflag:s21] =	ssyncadd.s32 $0xFFFFEC00  }
0x4d: {  	_ =	swait.ge [sflag:s22], $0x1400  }
0x4e: {  	[sflag:s22] =	ssyncset.done $0x0  }
0x4f: {  	[sflag:s22] =	ssyncadd.s32 $0xFFFFEC00  }
0x50: {  	_ =	swait.ge [sflag:s23], $0x1400  }
0x51: {  	[sflag:s23] =	ssyncset.done $0x0  }
0x52: {  	[sflag:s23] =	ssyncadd.s32 $0xFFFFEC00  }
0x53: {  	_ =	swait.ge [sflag:s24], $0x1400  }
0x54: {  	[sflag:s24] =	ssyncset.done $0x0  }
0x55: {  	[sflag:s24] =	ssyncadd.s32 $0xFFFFEC00  }
0x56: {  	_ =	swait.ge [sflag:s26], $0x1400  }
0x57: {  	[sflag:s26] =	ssyncset.done $0x0  }
0x58: {  	[sflag:s26] =	ssyncadd.s32 $0xFFFFEC00  }
0x59: {  	_ =	swait.ge [sflag:s28], $0x1400  }
0x5a: {  	[sflag:s28] =	ssyncset.done $0x0  }
0x5b: {  	[sflag:s28] =	ssyncadd.s32 $0xFFFFEC00  }
0x5c: {  	[bflag:$0x0] =	sbarrier.arrive $0xFFFF  }
0x5d: {  	_ =	sdelay $0x7ff  }
0x5e: {  	_ =	sdelay $0x7ff  }
0x5f: {  	_ =	sdelay $0x7ff  }
0x60: {  	_ =	sdelay $0x7ff  }
0x61: {  	_ =	sdelay $0x7ff  }
0x62: {  	_ =	sdelay $0x7ff  }
0x63: {  	s31 =	sadd.s32 $0x1, s31;
	_ =	sdelay $0x7ff  }
0x64: {  	s0 =	sor.u32 $0x1C13, s5;
	p0 =	sne.s32 s31, s11;
	_ =	sdelay $0x6b6  }
.Ltmp1:
0x65: {  	s1 =	simm.s32 $0x8;
	[bflag:$0x0] =	sbarrier.arrive $0xFFFF;
	(pc) =	sbr.rel @p0 .LBB2_1-.Ltmp1, $4  }
0x66: {  	[hbm:s10@s24], [sflag:s0] =	dma.strided [spmem:s25@s1], $0x1400, s14, $0x8   }
0x67: {  	_ =	swait.ge [sflag:s30], $0x1400  }
0x68: {  	[sflag:s30] =	ssyncset.done $0x0  }
0x69: {  	[sflag:s30] =	ssyncadd.s32 $0xFFFFEC00  }
0x6a: {  	_ =	sfence.sel $0x180000  }
0x6b: {  	[bflag:$0x0] =	sbarrier.arrive $0xFFFF  }
0x6c: {  	_ =	strace $0x90000047  }
0x6d: {  	s0 =	stileid.u32;
	[bflag:$0x2] =	sbarrier.arrive $0xFFFF  }
0x6e: {  	p0 =	sne.s32 s0, $0x0;
	s0 =	rddreg [dreg:$0x3]  }
0x6f: {  	s0 =	sadd.s32 @!p0 $0x100000, s0  }
0x70: {  	[sflag:s0] =	ssyncadd.tile.s32 @!p0 $0x1;
	_ =	shalt  }
.Lfunc_end2:
_tile_overlayer_lowered:
.L_overlay_start_2:
0x71: {  	(tag) =	ssettag $0x2  }
0x72: {  	s0 =	rddreg [dreg:$0x0];
	s2 =	stileid.u32  }
0x73: {  	s1 =	rddreg [dreg:$0x1];
	p0 =	sne.s32 s2, $0x0  }
0x74: {  	s3 =	rddreg [dreg:$0x2];
	[bflag:$0x3] =	sbarrier.arrive $0xFFFF;
	s2 =	simm.s32 @!p0 $0x1C13  }
0x75: {  	[timem:s3], [sflag:s2] =	dma.local @!p0 [hbm:s0], s1  }
0x76: {  	s0 =	simm.s32 @!p0 $0x13  }
0x77: {  	_ =	swait.ge @!p0 [sflag:s0], s1  }
0x78: {  	s1 =	ssub.s32 @!p0 $0x0, s1;
	[sflag:s0] =	ssyncset.done @!p0 $0x0  }
0x79: {  	[sflag:s0] =	ssyncadd.s32 @!p0 s1  }
0x7a: {  	[bflag:$0x3] =	sbarrier.arrive $0xFFFF  }
0x7b: {  	_ =	shalt  }

</sc_bundles>
